<compile_context>
chip_gen: v7x
topology: tpu7x:2x2x1
jax: 0.10.2.dev20260603
libtpu: 0.0.44.dev20260713+nightly
codegen_flags: <defaults>
</compile_context>

<pallas_src>
import functools

import jax
import jax.numpy as jnp
from jax import lax
from jax.experimental import pallas as pl
from jax.experimental.pallas import tpu as pltpu
from jax.experimental.pallas import tpu_sc as plsc

EMBED_DIM = 4096
BATCH = 1024
SEQLEN = 20

NC = 2
NS = 16
NW = NC * NS
B_PER_W = BATCH // NW
CHUNK = 8

_mesh = plsc.VectorSubcoreMesh(core_axis_name="c", subcore_axis_name="s")

_out_struct = jax.ShapeDtypeStruct((BATCH, EMBED_DIM), jnp.float32)


@functools.partial(
    pl.kernel,
    mesh=_mesh,
    out_type=(_out_struct, _out_struct),
    scratch_types=[
        pltpu.VMEM((B_PER_W,), jnp.int32),
        pltpu.VMEM((B_PER_W,), jnp.int32),
        pltpu.VMEM((CHUNK, EMBED_DIM), jnp.float32),
        pltpu.VMEM((CHUNK, EMBED_DIM), jnp.float32),
        pltpu.VMEM((CHUNK, EMBED_DIM), jnp.float32),
        pltpu.SemaphoreType.DMA,
        pltpu.SemaphoreType.DMA,
        pltpu.SemaphoreType.DMA,
        pltpu.SemaphoreType.DMA,
        pltpu.SemaphoreType.DMA,
        pltpu.SemaphoreType.DMA,
    ],
)
def _cls_gather(x_hbm, table_hbm, out1_hbm, out2_hbm, off_v, idx_v,
                buf0, buf1, buf2, sg0, sg1, sg2, sw0, sw1, sw2):
    wid = lax.axis_index("s") * NC + lax.axis_index("c")
    base = wid * B_PER_W
    strided = lax.iota(jnp.int32, 16) * SEQLEN + base * SEQLEN
    off_v[pl.ds(0, 16)] = strided
    off_v[pl.ds(16, 16)] = strided + 16 * SEQLEN
    pltpu.async_copy(x_hbm.at[off_v], idx_v, sg0).wait()
    g0 = pltpu.async_copy(table_hbm.at[idx_v.at[pl.ds(0, CHUNK)]], buf0, sg0)
    g1 = pltpu.async_copy(table_hbm.at[idx_v.at[pl.ds(CHUNK, CHUNK)]], buf1, sg1)
    g2 = pltpu.async_copy(table_hbm.at[idx_v.at[pl.ds(2 * CHUNK, CHUNK)]], buf2, sg2)
    g0.wait()
    wa0 = pltpu.async_copy(buf0, out1_hbm.at[pl.ds(base, CHUNK)], sw0)
    wb0 = pltpu.async_copy(buf0, out2_hbm.at[pl.ds(base, CHUNK)], sw0)
    g1.wait()
    wa1 = pltpu.async_copy(buf1, out1_hbm.at[pl.ds(base + CHUNK, CHUNK)], sw1)
    wb1 = pltpu.async_copy(buf1, out2_hbm.at[pl.ds(base + CHUNK, CHUNK)], sw1)
    g2.wait()
    wa2 = pltpu.async_copy(buf2, out1_hbm.at[pl.ds(base + 2 * CHUNK, CHUNK)], sw2)
    wb2 = pltpu.async_copy(buf2, out2_hbm.at[pl.ds(base + 2 * CHUNK, CHUNK)], sw2)
    wa0.wait()
    wb0.wait()
    g3 = pltpu.async_copy(table_hbm.at[idx_v.at[pl.ds(3 * CHUNK, CHUNK)]], buf0, sg0)
    g3.wait()
    wa3 = pltpu.async_copy(buf0, out1_hbm.at[pl.ds(base + 3 * CHUNK, CHUNK)], sw0)
    wb3 = pltpu.async_copy(buf0, out2_hbm.at[pl.ds(base + 3 * CHUNK, CHUNK)], sw0)
    wa1.wait()
    wb1.wait()
    wa2.wait()
    wb2.wait()
    wa3.wait()
    wb3.wait()


def kernel(x, table):
    out1, out2 = _cls_gather(x.reshape(-1), table)
    return (out1, out2)

# --- scband reference (transcript-rebuilt; emitter-appended) ---
"""Pipeline reference for scband-sim-embedding-84293028151974 (READ-ONLY COPY).

The authoritative reference and input builder live on the scoring server;
editing this copy changes nothing except your own understanding.
"""

import jax, jax.numpy as jnp
import numpy as np

VOCAB = 32000
EMBED_DIM = 4096
BATCH = 1024
SEQ = 20

def setup_inputs(seed: int = 0) -> dict:
    key = jax.random.key(seed)
    k1, k2 = jax.random.split(key)
    x = jax.random.randint(k1, (BATCH, SEQ), 0, VOCAB, dtype=jnp.int32)
    table = jax.random.normal(k2, (VOCAB, EMBED_DIM), dtype=jnp.float32)
    return {"x": x, "table": table}

def reference(x, table):
    # nn.Embedding lookup -> [B, L, D]
    emb = jnp.take(table, x, axis=0)
    # sentence_transformers Pooling(pooling_mode_cls_token=True):
    # sentence_embedding = token_embeddings[:, 0]
    sent = emb[:, 0, :]
    # Dropout in eval/reference mode is identity; module applies it twice
    # to the same tensor and returns both results.
    output1 = sent
    output2 = sent
    return (output1, output2)

if __name__ == "__main__":
    import jax
    _d = setup_inputs()
    print(jax.jit(kernel)(*tuple(_d.values())))

</pallas_src>

<mosaic_0001>
#map = affine_map<(d0, d1) -> (0)>
#map1 = affine_map<(d0, d1) -> (0, 0)>
module attributes {stable_mosaic.version = 14 : i64} {
  func.func @_cls_gather(%arg0: i32, %arg1: i32, %arg2: memref<20480xi32, #tpu.memory_space<hbm>>, %arg3: memref<32000x4096xf32, #tpu.memory_space<hbm>>, %arg4: memref<1024x4096xf32, #tpu.memory_space<hbm>>, %arg5: memref<1024x4096xf32, #tpu.memory_space<hbm>>, %arg6: memref<32xi32, #tpu.memory_space<vmem>>, %arg7: memref<32xi32, #tpu.memory_space<vmem>>, %arg8: memref<8x4096xf32, #tpu.memory_space<vmem>>, %arg9: memref<8x4096xf32, #tpu.memory_space<vmem>>, %arg10: memref<8x4096xf32, #tpu.memory_space<vmem>>, %arg11: memref<!tpu.dma_semaphore, #tpu.memory_space<semaphore_mem>>, %arg12: memref<!tpu.dma_semaphore, #tpu.memory_space<semaphore_mem>>, %arg13: memref<!tpu.dma_semaphore, #tpu.memory_space<semaphore_mem>>, %arg14: memref<!tpu.dma_semaphore, #tpu.memory_space<semaphore_mem>>, %arg15: memref<!tpu.dma_semaphore, #tpu.memory_space<semaphore_mem>>, %arg16: memref<!tpu.dma_semaphore, #tpu.memory_space<semaphore_mem>>) attributes {dimension_semantics = [#tpu.dimension_semantics<core_parallel>, #tpu.dimension_semantics<subcore_parallel>], iteration_bounds = array<i64: 2, 16>, scalar_prefetch = 0 : i64, scratch_operands = 11 : i64, tpu.core_type = #tpu.core_type<sc_vector_subcore>, window_params = [{transform_indices = #map}, {transform_indices = #map1}, {transform_indices = #map1}, {transform_indices = #map1}]} {
    %mul3A = arith.constant 2 : i32
    %mul3A_0 = arith.muli %arg1, %mul3A : i32
    %add3A = arith.addi %mul3A_0, %arg0 : i32
    %mul3A_1 = arith.constant 32 : i32
    %mul3A_2 = arith.muli %add3A, %mul3A_1 : i32
    %iota3A = tpu.iota {dimensions = array<i32: 0>} : vector<16xi32>
    %mul3A_3 = arith.constant 20 : i32
    %mul3A_4 = vector.broadcast %mul3A_3 : i32 to vector<16xi32>
    %mul3A_5 = arith.muli %iota3A, %mul3A_4 : vector<16xi32>
    %mul3A_6 = arith.constant 20 : i32
    %mul3A_7 = arith.muli %mul3A_2, %mul3A_6 : i32
    %add3A_8 = vector.broadcast %mul3A_7 : i32 to vector<16xi32>
    %add3A_9 = arith.addi %mul3A_5, %add3A_8 : vector<16xi32>
    %swap3A = arith.constant 0 : index
    %swap3A_10 = tpu.vector_load %arg6[%swap3A] {strides = array<i32>} : memref<32xi32, #tpu.memory_space<vmem>>, vector<16xi32>,
    %swap3A_11 = vector.shape_cast %swap3A_10 : vector<16xi32> to vector<16xi32>
    %swap3A_12 = vector.shape_cast %add3A_9 : vector<16xi32> to vector<16xi32>
    tpu.vector_store %arg6[%swap3A], %swap3A_12 {strides = array<i32>} : memref<32xi32, #tpu.memory_space<vmem>>, vector<16xi32>,
    %add3A_13 = arith.constant 320 : i32
    %add3A_14 = vector.broadcast %add3A_13 : i32 to vector<16xi32>
    %add3A_15 = arith.addi %add3A_9, %add3A_14 : vector<16xi32>
    %swap3A_16 = arith.constant 16 : index
    %swap3A_17 = tpu.vector_load %arg6[%swap3A_16] {strides = array<i32>} : memref<32xi32, #tpu.memory_space<vmem>>, vector<16xi32>,
    %swap3A_18 = vector.shape_cast %swap3A_17 : vector<16xi32> to vector<16xi32>
    %swap3A_19 = vector.shape_cast %add3A_15 : vector<16xi32> to vector<16xi32>
    tpu.vector_store %arg6[%swap3A_16], %swap3A_19 {strides = array<i32>} : memref<32xi32, #tpu.memory_space<vmem>>, vector<16xi32>,
    %dma_start3A = arith.constant 0 : i32
    %dma_start3A_20 = tpu.memref_slice %arg2[%dma_start3A] : memref<20480xi32, #tpu.memory_space<hbm>> -> memref<20480xi32, #tpu.memory_space<hbm>>
    tpu.enqueue_indirect_dma source(%dma_start3A_20 : memref<20480xi32, #tpu.memory_space<hbm>>) target(%arg7 : memref<32xi32, #tpu.memory_space<vmem>>) offsets(%arg6 : memref<32xi32, #tpu.memory_space<vmem>>) semaphore(%arg11 : memref<!tpu.dma_semaphore, #tpu.memory_space<semaphore_mem>>)
    %dma_wait3A = arith.constant 0 : i32
    %dma_wait3A_21 = tpu.memref_slice %arg2[%dma_wait3A] : memref<20480xi32, #tpu.memory_space<hbm>> -> memref<20480xi32, #tpu.memory_space<hbm>>
    tpu.wait_indirect_dma semaphore(%arg11 : memref<!tpu.dma_semaphore, #tpu.memory_space<semaphore_mem>>) src(%dma_wait3A_21 : memref<20480xi32, #tpu.memory_space<hbm>>) dst(%arg7 : memref<32xi32, #tpu.memory_space<vmem>>)
    %dma_start3A_22 = arith.constant 0 : i32
    %dma_start3A_23 = tpu.memref_slice %arg7[%dma_start3A_22] : memref<32xi32, #tpu.memory_space<vmem>> -> memref<8xi32, #tpu.memory_space<vmem>>
    %dma_start3A_24 = arith.constant 0 : i32
    %dma_start3A_25 = arith.constant 0 : i32
    %dma_start3A_26 = tpu.memref_slice %arg3[%dma_start3A_24, %dma_start3A_25] : memref<32000x4096xf32, #tpu.memory_space<hbm>> -> memref<32000x4096xf32, #tpu.memory_space<hbm>>
    tpu.enqueue_indirect_dma source(%dma_start3A_26 : memref<32000x4096xf32, #tpu.memory_space<hbm>>) target(%arg8 : memref<8x4096xf32, #tpu.memory_space<vmem>>) offsets(%dma_start3A_23 : memref<8xi32, #tpu.memory_space<vmem>>) semaphore(%arg11 : memref<!tpu.dma_semaphore, #tpu.memory_space<semaphore_mem>>)
    %dma_start3A_27 = arith.constant 8 : i32
    %dma_start3A_28 = tpu.memref_slice %arg7[%dma_start3A_27] : memref<32xi32, #tpu.memory_space<vmem>> -> memref<8xi32, #tpu.memory_space<vmem>>
    %dma_start3A_29 = arith.constant 0 : i32
    %dma_start3A_30 = arith.constant 0 : i32
    %dma_start3A_31 = tpu.memref_slice %arg3[%dma_start3A_29, %dma_start3A_30] : memref<32000x4096xf32, #tpu.memory_space<hbm>> -> memref<32000x4096xf32, #tpu.memory_space<hbm>>
    tpu.enqueue_indirect_dma source(%dma_start3A_31 : memref<32000x4096xf32, #tpu.memory_space<hbm>>) target(%arg9 : memref<8x4096xf32, #tpu.memory_space<vmem>>) offsets(%dma_start3A_28 : memref<8xi32, #tpu.memory_space<vmem>>) semaphore(%arg12 : memref<!tpu.dma_semaphore, #tpu.memory_space<semaphore_mem>>)
    %dma_start3A_32 = arith.constant 16 : i32
    %dma_start3A_33 = tpu.memref_slice %arg7[%dma_start3A_32] : memref<32xi32, #tpu.memory_space<vmem>> -> memref<8xi32, #tpu.memory_space<vmem>>
    %dma_start3A_34 = arith.constant 0 : i32
    %dma_start3A_35 = arith.constant 0 : i32
    %dma_start3A_36 = tpu.memref_slice %arg3[%dma_start3A_34, %dma_start3A_35] : memref<32000x4096xf32, #tpu.memory_space<hbm>> -> memref<32000x4096xf32, #tpu.memory_space<hbm>>
    tpu.enqueue_indirect_dma source(%dma_start3A_36 : memref<32000x4096xf32, #tpu.memory_space<hbm>>) target(%arg10 : memref<8x4096xf32, #tpu.memory_space<vmem>>) offsets(%dma_start3A_33 : memref<8xi32, #tpu.memory_space<vmem>>) semaphore(%arg13 : memref<!tpu.dma_semaphore, #tpu.memory_space<semaphore_mem>>)
    %dma_wait3A_37 = arith.constant 0 : i32
    %dma_wait3A_38 = tpu.memref_slice %arg7[%dma_wait3A_37] : memref<32xi32, #tpu.memory_space<vmem>> -> memref<8xi32, #tpu.memory_space<vmem>>
    %dma_wait3A_39 = arith.constant 0 : i32
    %dma_wait3A_40 = arith.constant 0 : i32
    %dma_wait3A_41 = tpu.memref_slice %arg3[%dma_wait3A_39, %dma_wait3A_40] : memref<32000x4096xf32, #tpu.memory_space<hbm>> -> memref<32000x4096xf32, #tpu.memory_space<hbm>>
    tpu.wait_indirect_dma semaphore(%arg11 : memref<!tpu.dma_semaphore, #tpu.memory_space<semaphore_mem>>) src(%dma_wait3A_41 : memref<32000x4096xf32, #tpu.memory_space<hbm>>) dst(%arg8 : memref<8x4096xf32, #tpu.memory_space<vmem>>)
    %dma_start3A_42 = arith.constant 0 : i32
    %dma_start3A_43 = tpu.memref_slice %arg4[%mul3A_2, %dma_start3A_42] : memref<1024x4096xf32, #tpu.memory_space<hbm>> -> memref<8x4096xf32, #tpu.memory_space<hbm>>
    %dma_start3A_44 = arith.constant 0 : i32
    %dma_start3A_45 = tpu.memref_slice %arg4[%mul3A_2, %dma_start3A_44] : memref<1024x4096xf32, #tpu.memory_space<hbm>> -> memref<8x4096xf32, #tpu.memory_space<hbm>>
    tpu.enqueue_dma source(%arg8 : memref<8x4096xf32, #tpu.memory_space<vmem>>) target(%dma_start3A_45 : memref<8x4096xf32, #tpu.memory_space<hbm>>) target_semaphore(%arg14 : memref<!tpu.dma_semaphore, #tpu.memory_space<semaphore_mem>>)
    %dma_start3A_46 = arith.constant 0 : i32
    %dma_start3A_47 = tpu.memref_slice %arg5[%mul3A_2, %dma_start3A_46] : memref<1024x4096xf32, #tpu.memory_space<hbm>> -> memref<8x4096xf32, #tpu.memory_space<hbm>>
    %dma_start3A_48 = arith.constant 0 : i32
    %dma_start3A_49 = tpu.memref_slice %arg5[%mul3A_2, %dma_start3A_48] : memref<1024x4096xf32, #tpu.memory_space<hbm>> -> memref<8x4096xf32, #tpu.memory_space<hbm>>
    tpu.enqueue_dma source(%arg8 : memref<8x4096xf32, #tpu.memory_space<vmem>>) target(%dma_start3A_49 : memref<8x4096xf32, #tpu.memory_space<hbm>>) target_semaphore(%arg14 : memref<!tpu.dma_semaphore, #tpu.memory_space<semaphore_mem>>)
    %dma_wait3A_50 = arith.constant 8 : i32
    %dma_wait3A_51 = tpu.memref_slice %arg7[%dma_wait3A_50] : memref<32xi32, #tpu.memory_space<vmem>> -> memref<8xi32, #tpu.memory_space<vmem>>
    %dma_wait3A_52 = arith.constant 0 : i32
    %dma_wait3A_53 = arith.constant 0 : i32
    %dma_wait3A_54 = tpu.memref_slice %arg3[%dma_wait3A_52, %dma_wait3A_53] : memref<32000x4096xf32, #tpu.memory_space<hbm>> -> memref<32000x4096xf32, #tpu.memory_space<hbm>>
    tpu.wait_indirect_dma semaphore(%arg12 : memref<!tpu.dma_semaphore, #tpu.memory_space<semaphore_mem>>) src(%dma_wait3A_54 : memref<32000x4096xf32, #tpu.memory_space<hbm>>) dst(%arg9 : memref<8x4096xf32, #tpu.memory_space<vmem>>)
    %add3A_55 = arith.constant 8 : i32
    %add3A_56 = arith.addi %mul3A_2, %add3A_55 : i32
    %dma_start3A_57 = arith.constant 0 : i32
    %dma_start3A_58 = tpu.memref_slice %arg4[%add3A_56, %dma_start3A_57] : memref<1024x4096xf32, #tpu.memory_space<hbm>> -> memref<8x4096xf32, #tpu.memory_space<hbm>>
    %dma_start3A_59 = arith.constant 0 : i32
    %dma_start3A_60 = tpu.memref_slice %arg4[%add3A_56, %dma_start3A_59] : memref<1024x4096xf32, #tpu.memory_space<hbm>> -> memref<8x4096xf32, #tpu.memory_space<hbm>>
    tpu.enqueue_dma source(%arg9 : memref<8x4096xf32, #tpu.memory_space<vmem>>) target(%dma_start3A_60 : memref<8x4096xf32, #tpu.memory_space<hbm>>) target_semaphore(%arg15 : memref<!tpu.dma_semaphore, #tpu.memory_space<semaphore_mem>>)
    %add3A_61 = arith.constant 8 : i32
    %add3A_62 = arith.addi %mul3A_2, %add3A_61 : i32
    %dma_start3A_63 = arith.constant 0 : i32
    %dma_start3A_64 = tpu.memref_slice %arg5[%add3A_62, %dma_start3A_63] : memref<1024x4096xf32, #tpu.memory_space<hbm>> -> memref<8x4096xf32, #tpu.memory_space<hbm>>
    %dma_start3A_65 = arith.constant 0 : i32
    %dma_start3A_66 = tpu.memref_slice %arg5[%add3A_62, %dma_start3A_65] : memref<1024x4096xf32, #tpu.memory_space<hbm>> -> memref<8x4096xf32, #tpu.memory_space<hbm>>
    tpu.enqueue_dma source(%arg9 : memref<8x4096xf32, #tpu.memory_space<vmem>>) target(%dma_start3A_66 : memref<8x4096xf32, #tpu.memory_space<hbm>>) target_semaphore(%arg15 : memref<!tpu.dma_semaphore, #tpu.memory_space<semaphore_mem>>)
    %dma_wait3A_67 = arith.constant 16 : i32
    %dma_wait3A_68 = tpu.memref_slice %arg7[%dma_wait3A_67] : memref<32xi32, #tpu.memory_space<vmem>> -> memref<8xi32, #tpu.memory_space<vmem>>
    %dma_wait3A_69 = arith.constant 0 : i32
    %dma_wait3A_70 = arith.constant 0 : i32
    %dma_wait3A_71 = tpu.memref_slice %arg3[%dma_wait3A_69, %dma_wait3A_70] : memref<32000x4096xf32, #tpu.memory_space<hbm>> -> memref<32000x4096xf32, #tpu.memory_space<hbm>>
    tpu.wait_indirect_dma semaphore(%arg13 : memref<!tpu.dma_semaphore, #tpu.memory_space<semaphore_mem>>) src(%dma_wait3A_71 : memref<32000x4096xf32, #tpu.memory_space<hbm>>) dst(%arg10 : memref<8x4096xf32, #tpu.memory_space<vmem>>)
    %add3A_72 = arith.constant 16 : i32
    %add3A_73 = arith.addi %mul3A_2, %add3A_72 : i32
    %dma_start3A_74 = arith.constant 0 : i32
    %dma_start3A_75 = tpu.memref_slice %arg4[%add3A_73, %dma_start3A_74] : memref<1024x4096xf32, #tpu.memory_space<hbm>> -> memref<8x4096xf32, #tpu.memory_space<hbm>>
    %dma_start3A_76 = arith.constant 0 : i32
    %dma_start3A_77 = tpu.memref_slice %arg4[%add3A_73, %dma_start3A_76] : memref<1024x4096xf32, #tpu.memory_space<hbm>> -> memref<8x4096xf32, #tpu.memory_space<hbm>>
    tpu.enqueue_dma source(%arg10 : memref<8x4096xf32, #tpu.memory_space<vmem>>) target(%dma_start3A_77 : memref<8x4096xf32, #tpu.memory_space<hbm>>) target_semaphore(%arg16 : memref<!tpu.dma_semaphore, #tpu.memory_space<semaphore_mem>>)
    %add3A_78 = arith.constant 16 : i32
    %add3A_79 = arith.addi %mul3A_2, %add3A_78 : i32
    %dma_start3A_80 = arith.constant 0 : i32
    %dma_start3A_81 = tpu.memref_slice %arg5[%add3A_79, %dma_start3A_80] : memref<1024x4096xf32, #tpu.memory_space<hbm>> -> memref<8x4096xf32, #tpu.memory_space<hbm>>
    %dma_start3A_82 = arith.constant 0 : i32
    %dma_start3A_83 = tpu.memref_slice %arg5[%add3A_79, %dma_start3A_82] : memref<1024x4096xf32, #tpu.memory_space<hbm>> -> memref<8x4096xf32, #tpu.memory_space<hbm>>
    tpu.enqueue_dma source(%arg10 : memref<8x4096xf32, #tpu.memory_space<vmem>>) target(%dma_start3A_83 : memref<8x4096xf32, #tpu.memory_space<hbm>>) target_semaphore(%arg16 : memref<!tpu.dma_semaphore, #tpu.memory_space<semaphore_mem>>)
    %dma_wait3A_84 = arith.constant 0 : i32
    %dma_wait3A_85 = tpu.memref_slice %arg4[%mul3A_2, %dma_wait3A_84] : memref<1024x4096xf32, #tpu.memory_space<hbm>> -> memref<8x4096xf32, #tpu.memory_space<hbm>>
    %dma_wait3A_86 = arith.constant 0 : i32
    %dma_wait3A_87 = tpu.memref_slice %arg4[%mul3A_2, %dma_wait3A_86] : memref<1024x4096xf32, #tpu.memory_space<hbm>> -> memref<8x4096xf32, #tpu.memory_space<hbm>>
    tpu.wait_dma2 semaphore(%arg14 : memref<!tpu.dma_semaphore, #tpu.memory_space<semaphore_mem>>) src(%arg8 : memref<8x4096xf32, #tpu.memory_space<vmem>>) dst(%dma_wait3A_87 : memref<8x4096xf32, #tpu.memory_space<hbm>>)
    %dma_wait3A_88 = arith.constant 0 : i32
    %dma_wait3A_89 = tpu.memref_slice %arg5[%mul3A_2, %dma_wait3A_88] : memref<1024x4096xf32, #tpu.memory_space<hbm>> -> memref<8x4096xf32, #tpu.memory_space<hbm>>
    %dma_wait3A_90 = arith.constant 0 : i32
    %dma_wait3A_91 = tpu.memref_slice %arg5[%mul3A_2, %dma_wait3A_90] : memref<1024x4096xf32, #tpu.memory_space<hbm>> -> memref<8x4096xf32, #tpu.memory_space<hbm>>
    tpu.wait_dma2 semaphore(%arg14 : memref<!tpu.dma_semaphore, #tpu.memory_space<semaphore_mem>>) src(%arg8 : memref<8x4096xf32, #tpu.memory_space<vmem>>) dst(%dma_wait3A_91 : memref<8x4096xf32, #tpu.memory_space<hbm>>)
    %dma_start3A_92 = arith.constant 24 : i32
    %dma_start3A_93 = tpu.memref_slice %arg7[%dma_start3A_92] : memref<32xi32, #tpu.memory_space<vmem>> -> memref<8xi32, #tpu.memory_space<vmem>>
    %dma_start3A_94 = arith.constant 0 : i32
    %dma_start3A_95 = arith.constant 0 : i32
    %dma_start3A_96 = tpu.memref_slice %arg3[%dma_start3A_94, %dma_start3A_95] : memref<32000x4096xf32, #tpu.memory_space<hbm>> -> memref<32000x4096xf32, #tpu.memory_space<hbm>>
    tpu.enqueue_indirect_dma source(%dma_start3A_96 : memref<32000x4096xf32, #tpu.memory_space<hbm>>) target(%arg8 : memref<8x4096xf32, #tpu.memory_space<vmem>>) offsets(%dma_start3A_93 : memref<8xi32, #tpu.memory_space<vmem>>) semaphore(%arg11 : memref<!tpu.dma_semaphore, #tpu.memory_space<semaphore_mem>>)
    %dma_wait3A_97 = arith.constant 24 : i32
    %dma_wait3A_98 = tpu.memref_slice %arg7[%dma_wait3A_97] : memref<32xi32, #tpu.memory_space<vmem>> -> memref<8xi32, #tpu.memory_space<vmem>>
    %dma_wait3A_99 = arith.constant 0 : i32
    %dma_wait3A_100 = arith.constant 0 : i32
    %dma_wait3A_101 = tpu.memref_slice %arg3[%dma_wait3A_99, %dma_wait3A_100] : memref<32000x4096xf32, #tpu.memory_space<hbm>> -> memref<32000x4096xf32, #tpu.memory_space<hbm>>
    tpu.wait_indirect_dma semaphore(%arg11 : memref<!tpu.dma_semaphore, #tpu.memory_space<semaphore_mem>>) src(%dma_wait3A_101 : memref<32000x4096xf32, #tpu.memory_space<hbm>>) dst(%arg8 : memref<8x4096xf32, #tpu.memory_space<vmem>>)
    %add3A_102 = arith.constant 24 : i32
    %add3A_103 = arith.addi %mul3A_2, %add3A_102 : i32
    %dma_start3A_104 = arith.constant 0 : i32
    %dma_start3A_105 = tpu.memref_slice %arg4[%add3A_103, %dma_start3A_104] : memref<1024x4096xf32, #tpu.memory_space<hbm>> -> memref<8x4096xf32, #tpu.memory_space<hbm>>
    %dma_start3A_106 = arith.constant 0 : i32
    %dma_start3A_107 = tpu.memref_slice %arg4[%add3A_103, %dma_start3A_106] : memref<1024x4096xf32, #tpu.memory_space<hbm>> -> memref<8x4096xf32, #tpu.memory_space<hbm>>
    tpu.enqueue_dma source(%arg8 : memref<8x4096xf32, #tpu.memory_space<vmem>>) target(%dma_start3A_107 : memref<8x4096xf32, #tpu.memory_space<hbm>>) target_semaphore(%arg14 : memref<!tpu.dma_semaphore, #tpu.memory_space<semaphore_mem>>)
    %add3A_108 = arith.constant 24 : i32
    %add3A_109 = arith.addi %mul3A_2, %add3A_108 : i32
    %dma_start3A_110 = arith.constant 0 : i32
    %dma_start3A_111 = tpu.memref_slice %arg5[%add3A_109, %dma_start3A_110] : memref<1024x4096xf32, #tpu.memory_space<hbm>> -> memref<8x4096xf32, #tpu.memory_space<hbm>>
    %dma_start3A_112 = arith.constant 0 : i32
    %dma_start3A_113 = tpu.memref_slice %arg5[%add3A_109, %dma_start3A_112] : memref<1024x4096xf32, #tpu.memory_space<hbm>> -> memref<8x4096xf32, #tpu.memory_space<hbm>>
    tpu.enqueue_dma source(%arg8 : memref<8x4096xf32, #tpu.memory_space<vmem>>) target(%dma_start3A_113 : memref<8x4096xf32, #tpu.memory_space<hbm>>) target_semaphore(%arg14 : memref<!tpu.dma_semaphore, #tpu.memory_space<semaphore_mem>>)
    %dma_wait3A_114 = arith.constant 0 : i32
    %dma_wait3A_115 = tpu.memref_slice %arg4[%add3A_56, %dma_wait3A_114] : memref<1024x4096xf32, #tpu.memory_space<hbm>> -> memref<8x4096xf32, #tpu.memory_space<hbm>>
    %dma_wait3A_116 = arith.constant 0 : i32
    %dma_wait3A_117 = tpu.memref_slice %arg4[%add3A_56, %dma_wait3A_116] : memref<1024x4096xf32, #tpu.memory_space<hbm>> -> memref<8x4096xf32, #tpu.memory_space<hbm>>
    tpu.wait_dma2 semaphore(%arg15 : memref<!tpu.dma_semaphore, #tpu.memory_space<semaphore_mem>>) src(%arg9 : memref<8x4096xf32, #tpu.memory_space<vmem>>) dst(%dma_wait3A_117 : memref<8x4096xf32, #tpu.memory_space<hbm>>)
    %dma_wait3A_118 = arith.constant 0 : i32
    %dma_wait3A_119 = tpu.memref_slice %arg5[%add3A_62, %dma_wait3A_118] : memref<1024x4096xf32, #tpu.memory_space<hbm>> -> memref<8x4096xf32, #tpu.memory_space<hbm>>
    %dma_wait3A_120 = arith.constant 0 : i32
    %dma_wait3A_121 = tpu.memref_slice %arg5[%add3A_62, %dma_wait3A_120] : memref<1024x4096xf32, #tpu.memory_space<hbm>> -> memref<8x4096xf32, #tpu.memory_space<hbm>>
    tpu.wait_dma2 semaphore(%arg15 : memref<!tpu.dma_semaphore, #tpu.memory_space<semaphore_mem>>) src(%arg9 : memref<8x4096xf32, #tpu.memory_space<vmem>>) dst(%dma_wait3A_121 : memref<8x4096xf32, #tpu.memory_space<hbm>>)
    %dma_wait3A_122 = arith.constant 0 : i32
    %dma_wait3A_123 = tpu.memref_slice %arg4[%add3A_73, %dma_wait3A_122] : memref<1024x4096xf32, #tpu.memory_space<hbm>> -> memref<8x4096xf32, #tpu.memory_space<hbm>>
    %dma_wait3A_124 = arith.constant 0 : i32
    %dma_wait3A_125 = tpu.memref_slice %arg4[%add3A_73, %dma_wait3A_124] : memref<1024x4096xf32, #tpu.memory_space<hbm>> -> memref<8x4096xf32, #tpu.memory_space<hbm>>
    tpu.wait_dma2 semaphore(%arg16 : memref<!tpu.dma_semaphore, #tpu.memory_space<semaphore_mem>>) src(%arg10 : memref<8x4096xf32, #tpu.memory_space<vmem>>) dst(%dma_wait3A_125 : memref<8x4096xf32, #tpu.memory_space<hbm>>)
    %dma_wait3A_126 = arith.constant 0 : i32
    %dma_wait3A_127 = tpu.memref_slice %arg5[%add3A_79, %dma_wait3A_126] : memref<1024x4096xf32, #tpu.memory_space<hbm>> -> memref<8x4096xf32, #tpu.memory_space<hbm>>
    %dma_wait3A_128 = arith.constant 0 : i32
    %dma_wait3A_129 = tpu.memref_slice %arg5[%add3A_79, %dma_wait3A_128] : memref<1024x4096xf32, #tpu.memory_space<hbm>> -> memref<8x4096xf32, #tpu.memory_space<hbm>>
    tpu.wait_dma2 semaphore(%arg16 : memref<!tpu.dma_semaphore, #tpu.memory_space<semaphore_mem>>) src(%arg10 : memref<8x4096xf32, #tpu.memory_space<vmem>>) dst(%dma_wait3A_129 : memref<8x4096xf32, #tpu.memory_space<hbm>>)
    %dma_wait3A_130 = arith.constant 0 : i32
    %dma_wait3A_131 = tpu.memref_slice %arg4[%add3A_103, %dma_wait3A_130] : memref<1024x4096xf32, #tpu.memory_space<hbm>> -> memref<8x4096xf32, #tpu.memory_space<hbm>>
    %dma_wait3A_132 = arith.constant 0 : i32
    %dma_wait3A_133 = tpu.memref_slice %arg4[%add3A_103, %dma_wait3A_132] : memref<1024x4096xf32, #tpu.memory_space<hbm>> -> memref<8x4096xf32, #tpu.memory_space<hbm>>
    tpu.wait_dma2 semaphore(%arg14 : memref<!tpu.dma_semaphore, #tpu.memory_space<semaphore_mem>>) src(%arg8 : memref<8x4096xf32, #tpu.memory_space<vmem>>) dst(%dma_wait3A_133 : memref<8x4096xf32, #tpu.memory_space<hbm>>)
    %dma_wait3A_134 = arith.constant 0 : i32
    %dma_wait3A_135 = tpu.memref_slice %arg5[%add3A_109, %dma_wait3A_134] : memref<1024x4096xf32, #tpu.memory_space<hbm>> -> memref<8x4096xf32, #tpu.memory_space<hbm>>
    %dma_wait3A_136 = arith.constant 0 : i32
    %dma_wait3A_137 = tpu.memref_slice %arg5[%add3A_109, %dma_wait3A_136] : memref<1024x4096xf32, #tpu.memory_space<hbm>> -> memref<8x4096xf32, #tpu.memory_space<hbm>>
    tpu.wait_dma2 semaphore(%arg14 : memref<!tpu.dma_semaphore, #tpu.memory_space<semaphore_mem>>) src(%arg8 : memref<8x4096xf32, #tpu.memory_space<vmem>>) dst(%dma_wait3A_137 : memref<8x4096xf32, #tpu.memory_space<hbm>>)
    return
  }
}

</mosaic_0001>

<sc_bundles>
// kernel: kernel.3.cloned.1.call-start
scs
__scs_entry_jumppad:
0x0: {  	(pc) =	sbr.rel $0x88, $3  }
0x1: {  	(tag) =	ssettag $0x0;
	lr =	simm.s32 $0x1  }
0x2: {  	[smem:$0x3F9F] =	sst lr;
	_ =	strace $0xD0000000  }
0x3: {  	_ = 	snop  }
0x4: {  	_ = 	snop  }
0x5: {  	_ = 	snop  }
0x6: {  	_ = 	snop  }
0x7: {  	_ = 	snop  }
__scs_overlays_trampoline_lowered:
0x8: {  	[smem:$0x3FAE] =	sst s0  }
0x9: {  	[smem:$0x3FAF] =	sst s1  }
0xa: {  	[smem:$0x3FB0] =	sst s2  }
0xb: {  	[smem:$0x3FB1] =	sst s3  }
0xc: {  	[smem:$0x3FB2] =	sst s4  }
0xd: {  	[smem:$0x3FB3] =	sst s5  }
0xe: {  	[smem:$0x3FB4] =	sst s6  }
0xf: {  	[smem:$0x3FB5] =	sst s7  }
0x10: {  	[smem:$0x3FB6] =	sst s8  }
0x11: {  	[smem:$0x3FB7] =	sst s9;
	s0 =	simm.s32 @!p0 $0x0  }
0x12: {  	s1 =	sld [smem:$0x3F9D];
	s0 =	simm.s32 @p0 $0x1  }
0x13: {  	[smem:$0x3FB8] =	sst s0;
	s0 =	simm.s32 @!p1 $0x0  }
0x14: {  	s2 =	sld [smem:$0x3F9C];
	s0 =	simm.s32 @p1 $0x1  }
0x15: {  	[smem:$0x3FB9] =	sst s0;
	s0 =	simm.s32 @!p2 $0x0  }
0x16: {  	s3 =	sld [smem:$0x3FDB];
	s0 =	simm.s32 @p2 $0x1  }
0x17: {  	s4 =	simm.s32 $0x1BF5;
	[smem:$0x3FBB] =	sst s0  }
0x18: {  	s0 =	sld [smem:$0x3F9E];
	_ =	swait.ge [sflag:s4], $0x0  }
0x19: {  	s7 =	sld [smem:$0x3F9F]  }
0x1a: {  	s8 =	sadd.s32 $0xFFFFE003, lr  }
0x1b: {  	s9 =	sadd.s32 $0xFFFFFEF7, lr;
	s5 =	simm.s32 $0xFFFFFFFF;
	p2 =	slt.u32 s8, $0xFFFFF086  }
0x1c: {  	p1 =	slt.u32 s9, $0xF7A;
	s5 =	simm.s32 @!p2 $0x0  }
0x1d: {  	s5 =	simm.s32 @p1 $0x1;
	p0 =	seq.s32 s7, s2  }
0x1e: {  	s7 =	smul.u32 @!p0 $0xF7A, s2;
	p2 =	seq.s32 @!p0 s5, $0x0  }
0x1f: {  	s9 =	smul.u32 $0xF7A, s1;
	s8 =	simm.s32 @!p0 $0x1BF5;
	p2 =	por !p2, p0  }
0x20: {  	[sflag:s8] =	ssyncset.s32 @!p0 $0xFFFFF086;
	s6 =	sadd.s32 @!p0 s3, s7;
	s7 =	simm.s32 @!p0 $0x108  }
0x21: {  	s3 =	sadd.s32 s3, s9;
	s6 =	sadd.s32 @!p0 $0x88, s6;
	s7 =	simm.s32 @p2 $0x1082  }
0x22: {  	[simem:s7], [sflag:s8] =	dma.local @!p0 [hbm:s6], $0xF7A  }
0x23: {  	s9 =	sor.u32 $0xD0000000, s2;
	s6 =	simm.s32 $0x108;
	_ =	swait.ge @!p0 [sflag:s8], $0x0  }
0x24: {  	s3 =	sadd.s32 $0x88, s3;
	s6 =	simm.s32 @!p1 $0x1082;
	[sflag:s4] =	ssyncset.s32 $0xFFFFF086  }
0x25: {  	[simem:s6], [sflag:s4] =	dma.local [hbm:s3], $0xF7A  }
0x26: {  	[smem:$0x3F9F] =	sst s1;
	(tag) =	ssettag s2;
	_ =	strace s9  }
0x27: {  	s1 =	sld [smem:$0x3FAF]  }
0x28: {  	s2 =	sld [smem:$0x3FB0]  }
0x29: {  	s4 =	sld [smem:$0x3FB2]  }
0x2a: {  	p0 =	seq.s32 s5, $0x0;
	s5 =	sld [smem:$0x3FB3]  }
0x2b: {  	s6 =	sld [smem:$0x3FB4]  }
0x2c: {  	s7 =	sld [smem:$0x3FB5]  }
0x2d: {  	s3 =	simm.s32 $0x108;
	s8 =	sld [smem:$0x3FB6]  }
0x2e: {  	s3 =	simm.s32 @!p0 $0x1082;
	s9 =	sld [smem:$0x3FB7]  }
0x2f: {  	lr =	sadd.s32 s0, s3;
	s0 =	sld [smem:$0x3FAE]  }
0x30: {  	s3 =	sld [smem:$0x3FB1]  }
0x31: {  	[smem:$0x3FBA] =	sst s10  }
0x32: {  	s10 =	sld [smem:$0x3FB8];
	_ =	sdelay $0x3  }
0x33: {  	p0 =	seq.s32 s10, $0x1;
	s10 =	sld [smem:$0x3FBA];
	_ =	sdelay $0x3  }
0x34: {  	[smem:$0x3FBA] =	sst s10  }
0x35: {  	s10 =	sld [smem:$0x3FB9];
	_ =	sdelay $0x3  }
0x36: {  	p1 =	seq.s32 s10, $0x1;
	s10 =	sld [smem:$0x3FBA];
	_ =	sdelay $0x3  }
0x37: {  	[smem:$0x3FBA] =	sst s10  }
0x38: {  	s10 =	sld [smem:$0x3FBB]  }
0x39: {  	_ = 	snop;
	(pc) =	sbr.ind lr, $3  }
0x3a: {  	_ = 	snop  }
0x3b: {  	_ = 	snop  }
0x3c: {  	p2 =	seq.s32 s10, $0x1;
	s10 =	sld [smem:$0x3FBA]  }
0x3d: {  	_ =	shalt  }
0x3e: {  	_ =	shalt  }
0x3f: {  	_ =	shalt  }
0x40: {  	_ =	shalt  }
0x41: {  	_ =	shalt  }
0x42: {  	_ =	shalt  }
0x43: {  	_ =	shalt  }
0x44: {  	_ =	shalt  }
0x45: {  	_ =	shalt  }
0x46: {  	_ =	shalt  }
0x47: {  	_ =	shalt  }
0x48: {  	_ =	shalt  }
0x49: {  	_ =	shalt  }
0x4a: {  	_ =	shalt  }
0x4b: {  	_ =	shalt  }
0x4c: {  	_ =	shalt  }
0x4d: {  	_ =	shalt  }
0x4e: {  	_ =	shalt  }
0x4f: {  	_ =	shalt  }
0x50: {  	_ =	shalt  }
0x51: {  	_ =	shalt  }
0x52: {  	_ =	shalt  }
0x53: {  	_ =	shalt  }
0x54: {  	_ =	shalt  }
0x55: {  	_ =	shalt  }
0x56: {  	_ =	shalt  }
0x57: {  	_ =	shalt  }
0x58: {  	_ =	shalt  }
0x59: {  	_ =	shalt  }
0x5a: {  	_ =	shalt  }
0x5b: {  	_ =	shalt  }
0x5c: {  	_ =	shalt  }
0x5d: {  	_ =	shalt  }
0x5e: {  	_ =	shalt  }
0x5f: {  	_ =	shalt  }
0x60: {  	_ =	shalt  }
0x61: {  	_ =	shalt  }
0x62: {  	_ =	shalt  }
0x63: {  	_ =	shalt  }
0x64: {  	_ =	shalt  }
0x65: {  	_ =	shalt  }
0x66: {  	_ =	shalt  }
0x67: {  	_ =	shalt  }
0x68: {  	_ =	shalt  }
0x69: {  	_ =	shalt  }
0x6a: {  	_ =	shalt  }
0x6b: {  	_ =	shalt  }
0x6c: {  	_ =	shalt  }
0x6d: {  	_ =	shalt  }
0x6e: {  	_ =	shalt  }
0x6f: {  	_ =	shalt  }
0x70: {  	_ =	shalt  }
0x71: {  	_ =	shalt  }
0x72: {  	_ =	shalt  }
0x73: {  	_ =	shalt  }
0x74: {  	_ =	shalt  }
0x75: {  	_ =	shalt  }
0x76: {  	_ =	shalt  }
0x77: {  	_ =	shalt  }
0x78: {  	_ =	shalt  }
0x79: {  	_ =	shalt  }
0x7a: {  	_ =	shalt  }
0x7b: {  	_ =	shalt  }
0x7c: {  	_ =	shalt  }
0x7d: {  	_ =	shalt  }
0x7e: {  	_ =	shalt  }
0x7f: {  	_ =	shalt  }
0x80: {  	_ =	shalt  }
0x81: {  	_ =	shalt  }
0x82: {  	_ =	shalt  }
0x83: {  	_ =	shalt  }
0x84: {  	_ =	shalt  }
0x85: {  	_ =	shalt  }
0x86: {  	_ =	shalt  }
0x87: {  	_ =	shalt  }
.Lfunc_end0:
.L_simem_size_0:
called_computation_lowered:
.L_overlay_start_0:
0x88: {  	s2 =	sld [smem:$0x3FD9]  }
0x89: {  	s3 =	sld [smem:$0x3FFE];
	_ =	sdelay $0x1  }
0x8a: {  	s1 =	srdreg.scid  }
0x8b: {  	s0 =	sand.u32 $0x1, s1  }
0x8c: {  	s14 =	sshll.u32 s0, $0xA;
	s2 =	sadd.s32 s3, s2  }
0x8d: {  	s2 =	sadd.s32 s2, s14  }
0x8e: {  	[smem:$0x3FC6] =	sst s2  }
0x8f: {  	_ = 	snop  }
0x90: {  	s2 =	sld [smem:$0x3FD0];
	_ =	sdelay $0x2  }
0x91: {  	s4 =	simm.s32 $0xA;
	s5 =	simm.s32 $0x10;
	s15 =	sld [smem:$0x3FC8]  }
0x92: {  	[smem:s5], [sflag:s4] =	dma.local [hbm:s2], $0x1  }
0x93: {  	_ =	swait.eq [sflag:s4], $0x1  }
0x94: {  	[sflag:s4] =	ssyncset.done $0x0  }
0x95: {  	s16 =	sld [smem:$0x10];
	[sflag:s4] =	ssyncadd.s32 $0xFFFFFFFF  }
0x96: {  	s17 =	sld [smem:$0x11];
	(tm) =	ssettm $0x1  }
0x97: {  	s18 =	sld [smem:$0x3FFB];
	_ =	sdelay $0x3  }
0x98: {  	_ =	strace s18  }
0x99: {  	s5 =	sld [smem:$0x3FFC];
	_ =	sdelay $0x3  }
0x9a: {  	_ =	strace s5  }
0x9b: {  	s5 =	sld [smem:$0x3FFD];
	_ =	sdelay $0x3  }
0x9c: {  	_ =	strace s5  }
0x9d: {  	_ =	strace $0x8FFFFFFF  }
0x9e: {  	s19 =	sld [smem:$0x3FDB];
	_ =	sdelay $0x1  }
0x9f: {  	s6 =	simm.s32 $_scs_section_size  }
0xa0: {  	s7 =	simm.s32 $_size__tile_overlayer_lowered;
	s8 =	simm.s32 $_tile_overlayer_lowered  }
0xa1: {  	s22 =	simm.s32 $0x1BFF;
	s21 =	sshll.u32 s8, $0x1;
	s5 =	sadd.s32 s6, s19  }
0xa2: {  	s9 =	simm.s32 $0x0;
	s20 =	sshll.u32 s7, $0x1;
	s7 =	sadd.s32 s21, s5  }
0xa3: {  	[timem:s9], [sflag:s22] =	dma.local [hbm:s7], s20  }
0xa4: {  	_ =	swait.ge [sflag:s22], s20  }
0xa5: {  	s6 =	ssub.s32 $0x0, s20;
	[sflag:s22] =	ssyncset.done $0x0  }
0xa6: {  	[sflag:s22] =	ssyncadd.s32 s6;
	_ =	sdelay $0x1  }
0xa7: {  	s23 =	simm.s32 $0x1B8B  }
0xa8: {  	_ =	swait.ge [sflag:s23], $0x1  }
0xa9: {  	[sflag:s23] =	ssyncset.done $0x0  }
0xaa: {  	s25 =	simm.s32 $0x1B8E;
	s24 =	sld [smem:$0x3FFE];
	[sflag:s23] =	ssyncadd.s32 $0xFFFFFFFF  }
0xab: {  	s26 =	simm.s32 $execute0_lowered;
	[smem:$0x3FD2] =	sst s25  }
0xac: {  	s7 =	sshll.u32 s26, $0x1;
	_ =	strace $0x80000046;
	[dreg:$0x1] =	wrdreg $0xFFFFFFFF  }
0xad: {  	s28 =	simm.s32 $_size_execute0_lowered;
	s5 =	sadd.s32 s5, s7;
	[dreg:$0x0] =	wrdreg $0x0  }
0xae: {  	s7 =	sshll.u32 s28, $0x1;
	[dreg:$0x2] =	wrdreg s5  }
0xaf: {  	[dreg:$0x3] =	wrdreg s7  }
0xb0: {  	[dreg:$0x4] =	wrdreg $0xC0  }
0xb1: {  	_ =	task [dreg:s9], $0x5FFFF  }
0xb2: {  	[dreg:$0x1] =	wrdreg $0xFFFFFFFF  }
0xb3: {  	[dreg:$0x0] =	wrdreg $0x60  }
0xb4: {  	[dreg:$0x2] =	wrdreg s24  }
0xb5: {  	[dreg:$0x3] =	wrdreg s15  }
0xb6: {  	[dreg:$0x4] =	wrdreg s16  }
0xb7: {  	[dreg:$0x5] =	wrdreg s17  }
0xb8: {  	[dreg:$0x6] =	wrdreg $0x9  }
0xb9: {  	_ =	task.clear_ibuf [dreg:s9], $0x7FFFF;
	_ =	strace $0x90000046  }
0xba: {  	s29 =	simm.s32 $0x9;
	_ =	strace $0x80000048  }
0xbb: {  	_ =	swait.ge [sflag:s29], $0x1  }
0xbc: {  	[sflag:s29] =	ssyncadd.s32 $0xFFFFFFFF  }
0xbd: {  	_ =	strace $0x90000048  }
0xbe: {  	_ =	sfence  }
0xbf: {  	s30 =	sld [smem:$0x0];
	_ =	sdelay $0x2  }
0xc0: {  	s31 =	sshll.u32 s1, $0xD;
	s1 =	sshrl.u32 s1, $0x2  }
0xc1: {  	s3 =	sand.u32 $0x4000, s31;
	s1 =	sadd.s32 s1, s30  }
0xc2: {  	s0 =	sor.u32 s3, s0;
	s1 =	sshll.u32 s1, $0x11  }
0xc3: {  	s0 =	sor.u32 s1, s0  }
0xc4: {  	s0 =	sadd.s32 $0x8F2B, s0  }
0xc5: {  	[sflag:s0] =	ssyncadd.remote.s32 $0x1  }
0xc6: {  	_ =	sfence.sel $0xFFFF  }
0xc7: {  	[dreg:$0x0] =	wrdreg $0xFFFFFFFF;
	(pc) =	sbr.abs _section_cstart, $3  }
0xc8: {  	[dreg:$0x1] =	wrdreg $0xFFFFFFFF  }
0xc9: {  	_ =	task.clear_ibuf [dreg:s9], $0x2FFFF;
	_ =	strace $0x9FFFFFFF  }
0xca: {  	(tm) =	ssettm $0x7FFFFFFF  }
0xcb: {  	_ =	shalt  }
tec
execute0_lowered:
.L_overlay_start_1:
0x0: {  	(tag) =	ssettag $0x1  }
0x1: {  	s0 =	rddreg [dreg:$0x0]  }
0x2: {  	s1 =	rddreg [dreg:$0x1]  }
0x3: {  	s2 =	rddreg [dreg:$0x2]  }
0x4: {  	s4 =	rddreg [dreg:$0x3];
	s3 =	simm.s32 $0x0  }
0x5: {  	[smem:$0x7FF] =	sst s3;
	s0 =	sadd.s32 $0x600, s0  }
0x6: {  	s26 =	simm.s32 $0x20;
	_ =	strace $0x80000047;
	[dreg:$0x5] =	wrdreg s0  }
0x7: {  	s9 =	simm.s32 $0xA100;
	[dreg:$0xe] =	wrdreg s26  }
0x8: {  	s10 =	simm.s32 $0xA900;
	[dreg:$0x13] =	wrdreg s9  }
0x9: {  	s11 =	simm.s32 $0xB100;
	[dreg:$0x14] =	wrdreg s10  }
0xa: {  	s13 =	simm.s32 $0xB900;
	[dreg:$0x15] =	wrdreg s11  }
0xb: {  	s5 =	srdreg.scid;
	s15 =	simm.s32 $0xC100;
	[dreg:$0x16] =	wrdreg s13  }
0xc: {  	s6 =	stileid.u32;
	s16 =	simm.s32 $0xC900;
	[dreg:$0x17] =	wrdreg s15  }
0xd: {  	s31 =	simm.s32 $0x4;
	[dreg:$0x18] =	wrdreg s16;
	s9 =	simm.s32 $0xF100  }
0xe: {  	s28 =	simm.s32 $0x2100;
	s10 =	simm.s32 $0xF900;
	[dreg:$0x1d] =	wrdreg s9  }
0xf: {  	s29 =	simm.s32 $0x2900;
	s11 =	simm.s32 $0x10900;
	[dreg:$0x1e] =	wrdreg s10  }
0x10: {  	s5 =	sand.u32 $0x1, s5;
	s13 =	simm.s32 $0x11900;
	[dreg:$0x1f] =	wrdreg s11  }
0x11: {  	s6 =	sshll.u32 s6, $0x1;
	s15 =	simm.s32 $0x12900;
	[smem:$0x7F1] =	sst s13  }
0x12: {  	s6 =	sor.u32 s5, s6;
	s16 =	simm.s32 $0x13100;
	[smem:$0x7F3] =	sst s15  }
0x13: {  	s26 =	simm.s32 $0x17900;
	s7 =	sshll.u32 s6, $0xE;
	[smem:$0x7F4] =	sst s16  }
0x14: {  	s30 =	simm.s32 $0x3100;
	[smem:$0x7FD] =	sst s26;
	s17 =	sadd.s32 s2, s7  }
0x15: {  	s18 =	sadd.s32 s4, s7;
	s8 =	sor.u32 $0x1000, s7;
	[dreg:$0x6] =	wrdreg s17  }
0x16: {  	s12 =	ssub.s32 $0x2, s5;
	[dreg:$0x7] =	wrdreg s18;
	s19 =	sadd.s32 s2, s8  }
0x17: {  	s21 =	sor.u32 $0x2000, s7;
	s20 =	sadd.s32 s4, s8;
	[dreg:$0x8] =	wrdreg s19  }
0x18: {  	s5 =	sadd.s32 $0x200, s1;
	s22 =	sadd.s32 s2, s21;
	[dreg:$0x9] =	wrdreg s20  }
0x19: {  	s7 =	sor.u32 $0x3000, s7;
	s23 =	sadd.s32 s4, s21;
	[dreg:$0xa] =	wrdreg s22  }
0x1a: {  	s14 =	sshrl.u32 s12, $0x1;
	s24 =	sadd.s32 s2, s7;
	[dreg:$0xb] =	wrdreg s23  }
0x1b: {  	s0 =	smul.u32 $0x280, s6;
	s25 =	sadd.s32 s4, s7;
	[dreg:$0xc] =	wrdreg s24  }
0x1c: {  	s6 =	sadd.s32 $0x300, s1;
	s2 =	simm.s32 $0x80;
	[dreg:$0xd] =	wrdreg s25  }
0x1d: {  	s9 =	sadd.s32 $0x600, s1;
	s4 =	simm.s32 $0x8900;
	[dreg:$0xf] =	wrdreg s2  }
0x1e: {  	s10 =	sadd.s32 $0x700, s1;
	s7 =	simm.s32 $0x9100;
	[dreg:$0x10] =	wrdreg s4  }
0x1f: {  	v2 =	vlaneseq.u32;
	s11 =	sadd.s32 $0x800, s1;
	s8 =	simm.s32 $0x9900;
	[dreg:$0x11] =	wrdreg s7  }
0x20: {  	v0 =	vmul.u32 $0x14, v2;
	s13 =	sadd.s32 $0xA00, s1;
	s17 =	simm.s32 $0xD100;
	[dreg:$0x12] =	wrdreg s8  }
0x21: {  	s15 =	sadd.s32 $0xC00, s1;
	s18 =	simm.s32 $0xD900;
	[dreg:$0x19] =	wrdreg s17  }
0x22: {  	s16 =	sadd.s32 $0xD00, s1;
	v1 =	vadd.s32 $0x140, v0;
	s21 =	simm.s32 $0x15900;
	[dreg:$0x1a] =	wrdreg s18  }
0x23: {  	v0 =	vadd.s32 s0, v0;
	v1 =	vadd.s32 s0, v1;
	s0 =	simm.s32 $0x5;
	s19 =	simm.s32 $0xE100;
	[smem:$0x7F9] =	sst s21  }
0x24: {  	s2 =	ssub.s32 s12, s14;
	s20 =	simm.s32 $0xE900;
	[dreg:$0x1b] =	wrdreg s19  }
0x25: {  	s4 =	sadd.s32 $0x100, s1;
	s12 =	simm.s32 $0x11100;
	[dreg:$0x1c] =	wrdreg s20  }
0x26: {  	s7 =	sadd.s32 $0x400, s1;
	s14 =	simm.s32 $0x12100;
	[smem:$0x7F0] =	sst s12  }
0x27: {  	s8 =	sadd.s32 $0x500, s1;
	s17 =	simm.s32 $0x13900;
	[smem:$0x7F2] =	sst s14  }
0x28: {  	s18 =	simm.s32 $0x14100;
	s22 =	simm.s32 $0x16100;
	[smem:$0x7F5] =	sst s17  }
0x29: {  	s25 =	simm.s32 $0x100;
	s23 =	simm.s32 $0x16900;
	[smem:$0x7F6] =	sst s18  }
0x2a: {  	s24 =	simm.s32 $0x17100;
	s12 =	sadd.s32 $0x900, s1;
	[smem:$0x7FA] =	sst s22  }
0x2b: {  	s14 =	sadd.s32 $0xB00, s1;
	s17 =	sadd.s32 $0xE00, s1;
	[smem:$0x7FB] =	sst s23  }
0x2c: {  	s19 =	simm.s32 $0x14900;
	s18 =	sadd.s32 $0xF00, s1;
	[smem:$0x7FC] =	sst s24  }
0x2d: {  	v3 =	vshrl.u32 v2, $0x3;
	s20 =	simm.s32 $0x15100;
	[smem:$0x7F7] =	sst s19;
	s19 =	smax.u32 s2, $0x1  }
0x2e: {  	vm0 =	vmmov $0xffff;
	v2 =	vand.u32 $0x7, v2;
	v3 =	vmul.u32 $0x8, v3;
	[smem:$0x7F8] =	sst s20;
	s20 =	simm.s32 $0x1;
	s2 =	simm.s32 $0x6  }
.LBB2_1:
0x2f: {  	s22 =	rddreg [dreg:$0x5]  }
0x30: {  	s23 =	rddreg [dreg:$0xe];
	[tilespmem:$0x0] =	vst v0  }
0x31: {  	s24 =	rddreg [dreg:$0xf];
	[tilespmem:$0x10] =	vst v1  }
0x32: {  	[tilespmem:s24], [sflag:$0x1] =	stream.indirect.gather [hbm4b:s22+s23], $0x1, s3, s23, $0xb8;
	[tilespmem:$0x18100] =	vst v63  }
0x33: {  	_ =	swait.ge [sflag:s20], $0x20  }
0x34: {  	[sflag:s20] =	ssyncset.done $0x0  }
0x35: {  	[sflag:s20] =	ssyncadd.s32 $0xFFFFFFE0  }
0x36: {  	v4 =	vld.msk [tilespmem:$0x80], $0xff;
	_ =	sdelay $0x4  }
0x37: {  	v5 =	vshll.u32 v4, $0x5  }
0x38: {  	v4 =	vand.u32 $0x7, v4;
	v5 =	vand.u32 $0xFFFFFF00, v5  }
0x39: {  	v4 =	vor.u32 v4, v5  }
0x3a: {  	v4 =	vperm.xlane v4, v2;
	_ =	sdelay $0x1  }
0x3b: {  	v4 =	vadd.s32 v3, v4;
	_ =	sdelay $0x3  }
0x3c: {  	s26 =	rddreg [dreg:$0x1]  }
0x3d: {  	[tilespmem:s25], [sflag:$0x1] =	stream.indirect_vreg.gather [hbm4b:s26+s3], $0x80, v4, vm0, $0xb8;
	[tilespmem:$0x18100] =	vst v63  }
0x3e: {  	s24 =	simm.s32 $0x900  }
0x3f: {  	[tilespmem:s24], [sflag:$0x1] =	stream.indirect_vreg.gather [hbm4b:s4+s3], $0x80, v4, vm0, $0xb8;
	[tilespmem:$0x18100] =	vst v63  }
0x40: {  	s1 =	simm.s32 $0x1100  }
0x41: {  	[tilespmem:s1], [sflag:$0x1] =	stream.indirect_vreg.gather [hbm4b:s5+s3], $0x80, v4, vm0, $0xb8;
	[tilespmem:$0x18100] =	vst v63  }
0x42: {  	s23 =	simm.s32 $0x1900  }
0x43: {  	[tilespmem:s23], [sflag:$0x1] =	stream.indirect_vreg.gather [hbm4b:s6+s3], $0x80, v4, vm0, $0xb8;
	[tilespmem:$0x18100] =	vst v63  }
0x44: {  	_ = 	snop  }
0x45: {  	[tilespmem:s28], [sflag:$0x1] =	stream.indirect_vreg.gather [hbm4b:s7+s3], $0x80, v4, vm0, $0xb8;
	[tilespmem:$0x18100] =	vst v63  }
0x46: {  	_ = 	snop  }
0x47: {  	[tilespmem:s29], [sflag:$0x1] =	stream.indirect_vreg.gather [hbm4b:s8+s3], $0x80, v4, vm0, $0xb8;
	[tilespmem:$0x18100] =	vst v63  }
0x48: {  	_ = 	snop  }
0x49: {  	[tilespmem:s30], [sflag:$0x1] =	stream.indirect_vreg.gather [hbm4b:s9+s3], $0x80, v4, vm0, $0xb8;
	[tilespmem:$0x18100] =	vst v63  }
0x4a: {  	s21 =	simm.s32 $0x3900  }
0x4b: {  	[tilespmem:s21], [sflag:$0x1] =	stream.indirect_vreg.gather [hbm4b:s10+s3], $0x80, v4, vm0, $0xb8;
	[tilespmem:$0x18100] =	vst v63  }
0x4c: {  	s22 =	simm.s32 $0x4100  }
0x4d: {  	[tilespmem:s22], [sflag:$0x1] =	stream.indirect_vreg.gather [hbm4b:s11+s3], $0x80, v4, vm0, $0xb8;
	[tilespmem:$0x18100] =	vst v63  }
0x4e: {  	s23 =	simm.s32 $0x4900  }
0x4f: {  	[tilespmem:s23], [sflag:$0x1] =	stream.indirect_vreg.gather [hbm4b:s12+s3], $0x80, v4, vm0, $0xb8;
	[tilespmem:$0x18100] =	vst v63  }
0x50: {  	s21 =	simm.s32 $0x5100  }
0x51: {  	[tilespmem:s21], [sflag:$0x1] =	stream.indirect_vreg.gather [hbm4b:s13+s3], $0x80, v4, vm0, $0xb8;
	[tilespmem:$0x18100] =	vst v63  }
0x52: {  	s22 =	simm.s32 $0x5900  }
0x53: {  	[tilespmem:s22], [sflag:$0x1] =	stream.indirect_vreg.gather [hbm4b:s14+s3], $0x80, v4, vm0, $0xb8;
	[tilespmem:$0x18100] =	vst v63  }
0x54: {  	s23 =	simm.s32 $0x6100  }
0x55: {  	[tilespmem:s23], [sflag:$0x1] =	stream.indirect_vreg.gather [hbm4b:s15+s3], $0x80, v4, vm0, $0xb8;
	[tilespmem:$0x18100] =	vst v63  }
0x56: {  	s21 =	simm.s32 $0x6900  }
0x57: {  	[tilespmem:s21], [sflag:$0x1] =	stream.indirect_vreg.gather [hbm4b:s16+s3], $0x80, v4, vm0, $0xb8;
	[tilespmem:$0x18100] =	vst v63  }
0x58: {  	s22 =	simm.s32 $0x7100  }
0x59: {  	[tilespmem:s22], [sflag:$0x1] =	stream.indirect_vreg.gather [hbm4b:s17+s3], $0x80, v4, vm0, $0xb8;
	[tilespmem:$0x18100] =	vst v63  }
0x5a: {  	s23 =	simm.s32 $0x7900  }
0x5b: {  	[tilespmem:s23], [sflag:$0x1] =	stream.indirect_vreg.gather [hbm4b:s18+s3], $0x80, v4, vm0, $0xb8;
	[tilespmem:$0x18100] =	vst v63  }
0x5c: {  	v4 =	vld.msk [tilespmem:$0x88], $0xff;
	_ =	sdelay $0x4  }
0x5d: {  	v5 =	vshll.u32 v4, $0x5  }
0x5e: {  	v4 =	vand.u32 $0x7, v4;
	v5 =	vand.u32 $0xFFFFFF00, v5  }
0x5f: {  	v4 =	vor.u32 v4, v5  }
0x60: {  	v4 =	vperm.xlane v4, v2;
	_ =	sdelay $0x1  }
0x61: {  	v4 =	vadd.s32 v3, v4;
	_ =	sdelay $0x3  }
0x62: {  	s21 =	simm.s32 $0x8100  }
0x63: {  	[tilespmem:s21], [sflag:$0x2] =	stream.indirect_vreg.gather [hbm4b:s26+s3], $0x80, v4, vm0, $0xb8;
	[tilespmem:$0x18100] =	vst v63  }
0x64: {  	s1 =	rddreg [dreg:$0x10]  }
0x65: {  	[tilespmem:s1], [sflag:$0x2] =	stream.indirect_vreg.gather [hbm4b:s4+s3], $0x80, v4, vm0, $0xb8;
	[tilespmem:$0x18100] =	vst v63  }
0x66: {  	s23 =	rddreg [dreg:$0x11]  }
0x67: {  	[tilespmem:s23], [sflag:$0x2] =	stream.indirect_vreg.gather [hbm4b:s5+s3], $0x80, v4, vm0, $0xb8;
	[tilespmem:$0x18100] =	vst v63  }
0x68: {  	s1 =	rddreg [dreg:$0x12]  }
0x69: {  	[tilespmem:s1], [sflag:$0x2] =	stream.indirect_vreg.gather [hbm4b:s6+s3], $0x80, v4, vm0, $0xb8;
	[tilespmem:$0x18100] =	vst v63  }
0x6a: {  	s23 =	rddreg [dreg:$0x13]  }
0x6b: {  	[tilespmem:s23], [sflag:$0x2] =	stream.indirect_vreg.gather [hbm4b:s7+s3], $0x80, v4, vm0, $0xb8;
	[tilespmem:$0x18100] =	vst v63  }
0x6c: {  	s1 =	rddreg [dreg:$0x14]  }
0x6d: {  	[tilespmem:s1], [sflag:$0x2] =	stream.indirect_vreg.gather [hbm4b:s8+s3], $0x80, v4, vm0, $0xb8;
	[tilespmem:$0x18100] =	vst v63  }
0x6e: {  	s23 =	rddreg [dreg:$0x15]  }
0x6f: {  	[tilespmem:s23], [sflag:$0x2] =	stream.indirect_vreg.gather [hbm4b:s9+s3], $0x80, v4, vm0, $0xb8;
	[tilespmem:$0x18100] =	vst v63  }
0x70: {  	s1 =	rddreg [dreg:$0x16]  }
0x71: {  	[tilespmem:s1], [sflag:$0x2] =	stream.indirect_vreg.gather [hbm4b:s10+s3], $0x80, v4, vm0, $0xb8;
	[tilespmem:$0x18100] =	vst v63  }
0x72: {  	s23 =	rddreg [dreg:$0x17]  }
0x73: {  	[tilespmem:s23], [sflag:$0x2] =	stream.indirect_vreg.gather [hbm4b:s11+s3], $0x80, v4, vm0, $0xb8;
	[tilespmem:$0x18100] =	vst v63  }
0x74: {  	s1 =	rddreg [dreg:$0x18]  }
0x75: {  	[tilespmem:s1], [sflag:$0x2] =	stream.indirect_vreg.gather [hbm4b:s12+s3], $0x80, v4, vm0, $0xb8;
	[tilespmem:$0x18100] =	vst v63  }
0x76: {  	s23 =	rddreg [dreg:$0x19]  }
0x77: {  	[tilespmem:s23], [sflag:$0x2] =	stream.indirect_vreg.gather [hbm4b:s13+s3], $0x80, v4, vm0, $0xb8;
	[tilespmem:$0x18100] =	vst v63  }
0x78: {  	s1 =	rddreg [dreg:$0x1a]  }
0x79: {  	[tilespmem:s1], [sflag:$0x2] =	stream.indirect_vreg.gather [hbm4b:s14+s3], $0x80, v4, vm0, $0xb8;
	[tilespmem:$0x18100] =	vst v63  }
0x7a: {  	s23 =	rddreg [dreg:$0x1b]  }
0x7b: {  	[tilespmem:s23], [sflag:$0x2] =	stream.indirect_vreg.gather [hbm4b:s15+s3], $0x80, v4, vm0, $0xb8;
	[tilespmem:$0x18100] =	vst v63  }
0x7c: {  	s1 =	rddreg [dreg:$0x1c]  }
0x7d: {  	[tilespmem:s1], [sflag:$0x2] =	stream.indirect_vreg.gather [hbm4b:s16+s3], $0x80, v4, vm0, $0xb8;
	[tilespmem:$0x18100] =	vst v63  }
0x7e: {  	s23 =	rddreg [dreg:$0x1d]  }
0x7f: {  	[tilespmem:s23], [sflag:$0x2] =	stream.indirect_vreg.gather [hbm4b:s17+s3], $0x80, v4, vm0, $0xb8;
	[tilespmem:$0x18100] =	vst v63  }
0x80: {  	s1 =	rddreg [dreg:$0x1e]  }
0x81: {  	[tilespmem:s1], [sflag:$0x2] =	stream.indirect_vreg.gather [hbm4b:s18+s3], $0x80, v4, vm0, $0xb8;
	[tilespmem:$0x18100] =	vst v63  }
0x82: {  	v4 =	vld.msk [tilespmem:$0x90], $0xff;
	_ =	sdelay $0x4  }
0x83: {  	v5 =	vshll.u32 v4, $0x5  }
0x84: {  	v4 =	vand.u32 $0x7, v4;
	v5 =	vand.u32 $0xFFFFFF00, v5  }
0x85: {  	v4 =	vor.u32 v4, v5  }
0x86: {  	v4 =	vperm.xlane v4, v2;
	_ =	sdelay $0x1  }
0x87: {  	v4 =	vadd.s32 v3, v4;
	_ =	sdelay $0x3  }
0x88: {  	s22 =	rddreg [dreg:$0x1f];
	s1 =	simm.s32 $0x10100  }
0x89: {  	[tilespmem:s1], [sflag:$0x3] =	stream.indirect_vreg.gather [hbm4b:s26+s3], $0x80, v4, vm0, $0xb8;
	[tilespmem:$0x18100] =	vst v63  }
0x8a: {  	s23 =	sld [smem:$0x7F0]  }
0x8b: {  	[tilespmem:s22], [sflag:$0x3] =	stream.indirect_vreg.gather [hbm4b:s4+s3], $0x80, v4, vm0, $0xb8;
	[tilespmem:$0x18100] =	vst v63  }
0x8c: {  	s22 =	sld [smem:$0x7F1]  }
0x8d: {  	[tilespmem:s23], [sflag:$0x3] =	stream.indirect_vreg.gather [hbm4b:s5+s3], $0x80, v4, vm0, $0xb8;
	[tilespmem:$0x18100] =	vst v63  }
0x8e: {  	s23 =	sld [smem:$0x7F2]  }
0x8f: {  	[tilespmem:s22], [sflag:$0x3] =	stream.indirect_vreg.gather [hbm4b:s6+s3], $0x80, v4, vm0, $0xb8;
	[tilespmem:$0x18100] =	vst v63  }
0x90: {  	s22 =	sld [smem:$0x7F3]  }
0x91: {  	[tilespmem:s23], [sflag:$0x3] =	stream.indirect_vreg.gather [hbm4b:s7+s3], $0x80, v4, vm0, $0xb8;
	[tilespmem:$0x18100] =	vst v63  }
0x92: {  	s23 =	sld [smem:$0x7F4]  }
0x93: {  	[tilespmem:s22], [sflag:$0x3] =	stream.indirect_vreg.gather [hbm4b:s8+s3], $0x80, v4, vm0, $0xb8;
	[tilespmem:$0x18100] =	vst v63  }
0x94: {  	s22 =	sld [smem:$0x7F5]  }
0x95: {  	[tilespmem:s23], [sflag:$0x3] =	stream.indirect_vreg.gather [hbm4b:s9+s3], $0x80, v4, vm0, $0xb8;
	[tilespmem:$0x18100] =	vst v63  }
0x96: {  	s23 =	sld [smem:$0x7F6]  }
0x97: {  	[tilespmem:s22], [sflag:$0x3] =	stream.indirect_vreg.gather [hbm4b:s10+s3], $0x80, v4, vm0, $0xb8;
	[tilespmem:$0x18100] =	vst v63  }
0x98: {  	s22 =	sld [smem:$0x7F7]  }
0x99: {  	[tilespmem:s23], [sflag:$0x3] =	stream.indirect_vreg.gather [hbm4b:s11+s3], $0x80, v4, vm0, $0xb8;
	[tilespmem:$0x18100] =	vst v63  }
0x9a: {  	s23 =	sld [smem:$0x7F8]  }
0x9b: {  	[tilespmem:s22], [sflag:$0x3] =	stream.indirect_vreg.gather [hbm4b:s12+s3], $0x80, v4, vm0, $0xb8;
	[tilespmem:$0x18100] =	vst v63  }
0x9c: {  	s22 =	sld [smem:$0x7F9]  }
0x9d: {  	[tilespmem:s23], [sflag:$0x3] =	stream.indirect_vreg.gather [hbm4b:s13+s3], $0x80, v4, vm0, $0xb8;
	[tilespmem:$0x18100] =	vst v63  }
0x9e: {  	s23 =	sld [smem:$0x7FA]  }
0x9f: {  	[tilespmem:s22], [sflag:$0x3] =	stream.indirect_vreg.gather [hbm4b:s14+s3], $0x80, v4, vm0, $0xb8;
	[tilespmem:$0x18100] =	vst v63  }
0xa0: {  	s22 =	sld [smem:$0x7FB]  }
0xa1: {  	[tilespmem:s23], [sflag:$0x3] =	stream.indirect_vreg.gather [hbm4b:s15+s3], $0x80, v4, vm0, $0xb8;
	[tilespmem:$0x18100] =	vst v63  }
0xa2: {  	s23 =	sld [smem:$0x7FC]  }
0xa3: {  	[tilespmem:s22], [sflag:$0x3] =	stream.indirect_vreg.gather [hbm4b:s16+s3], $0x80, v4, vm0, $0xb8;
	[tilespmem:$0x18100] =	vst v63  }
0xa4: {  	s22 =	sld [smem:$0x7FD]  }
0xa5: {  	[tilespmem:s23], [sflag:$0x3] =	stream.indirect_vreg.gather [hbm4b:s17+s3], $0x80, v4, vm0, $0xb8;
	[tilespmem:$0x18100] =	vst v63  }
0xa6: {  	_ = 	snop  }
0xa7: {  	[tilespmem:s22], [sflag:$0x3] =	stream.indirect_vreg.gather [hbm4b:s18+s3], $0x80, v4, vm0, $0xb8;
	[tilespmem:$0x18100] =	vst v63  }
0xa8: {  	_ =	swait.ge [sflag:s20], $0x8000  }
0xa9: {  	[sflag:s20] =	ssyncset.done $0x0  }
0xaa: {  	s22 =	rddreg [dreg:$0x6];
	[sflag:s20] =	ssyncadd.s32 $0xFFFF8000  }
0xab: {  	[hbm4b:s22+s3] =	stream.linear.scatter [tilespmem:s25], [sflag:$0x4], $0x8000, $0x38;
	[tilespmem:$0x18100] =	vst v63  }
0xac: {  	s23 =	rddreg [dreg:$0x7]  }
0xad: {  	[hbm4b:s23+s3] =	stream.linear.scatter [tilespmem:s25], [sflag:$0x4], $0x8000, $0x38;
	[tilespmem:$0x18100] =	vst v63  }
0xae: {  	s23 =	simm.s32 $0x2  }
0xaf: {  	_ =	swait.ge [sflag:s23], $0x8000  }
0xb0: {  	[sflag:s23] =	ssyncset.done $0x0  }
0xb1: {  	s22 =	rddreg [dreg:$0x8];
	[sflag:s23] =	ssyncadd.s32 $0xFFFF8000  }
0xb2: {  	[hbm4b:s22+s3] =	stream.linear.scatter [tilespmem:s21], [sflag:$0x5], $0x8000, $0x38;
	[tilespmem:$0x18100] =	vst v63  }
0xb3: {  	s23 =	rddreg [dreg:$0x9];
	s22 =	simm.s32 $0x3  }
0xb4: {  	[hbm4b:s23+s3] =	stream.linear.scatter [tilespmem:s21], [sflag:$0x5], $0x8000, $0x38;
	[tilespmem:$0x18100] =	vst v63  }
0xb5: {  	_ =	swait.ge [sflag:s22], $0x8000  }
0xb6: {  	[sflag:s22] =	ssyncset.done $0x0  }
0xb7: {  	s23 =	rddreg [dreg:$0xa];
	[sflag:s22] =	ssyncadd.s32 $0xFFFF8000  }
0xb8: {  	[hbm4b:s23+s3] =	stream.linear.scatter [tilespmem:s1], [sflag:$0x6], $0x8000, $0x38;
	[tilespmem:$0x18100] =	vst v63  }
0xb9: {  	s21 =	rddreg [dreg:$0xb]  }
0xba: {  	[hbm4b:s21+s3] =	stream.linear.scatter [tilespmem:s1], [sflag:$0x6], $0x8000, $0x38;
	[tilespmem:$0x18100] =	vst v63  }
0xbb: {  	_ =	swait.ge [sflag:s31], $0x8000  }
0xbc: {  	[sflag:s31] =	ssyncset.done $0x0  }
0xbd: {  	[sflag:s31] =	ssyncadd.s32 $0xFFFF8000  }
0xbe: {  	_ =	swait.ge [sflag:s31], $0x8000  }
0xbf: {  	[sflag:s31] =	ssyncset.done $0x0  }
0xc0: {  	[sflag:s31] =	ssyncadd.s32 $0xFFFF8000  }
0xc1: {  	v4 =	vld.msk [tilespmem:$0x98], $0xff;
	_ =	sdelay $0x4  }
0xc2: {  	v5 =	vshll.u32 v4, $0x5  }
0xc3: {  	v4 =	vand.u32 $0x7, v4;
	v5 =	vand.u32 $0xFFFFFF00, v5  }
0xc4: {  	v4 =	vor.u32 v4, v5  }
0xc5: {  	v4 =	vperm.xlane v4, v2;
	_ =	sdelay $0x1  }
0xc6: {  	v4 =	vadd.s32 v3, v4;
	_ =	sdelay $0x4  }
0xc7: {  	[tilespmem:s25], [sflag:$0x1] =	stream.indirect_vreg.gather [hbm4b:s26+s3], $0x80, v4, vm0, $0xb8;
	[tilespmem:$0x18100] =	vst v63  }
0xc8: {  	_ = 	snop  }
0xc9: {  	[tilespmem:s24], [sflag:$0x1] =	stream.indirect_vreg.gather [hbm4b:s4+s3], $0x80, v4, vm0, $0xb8;
	[tilespmem:$0x18100] =	vst v63  }
0xca: {  	s23 =	simm.s32 $0x1100  }
0xcb: {  	[tilespmem:s23], [sflag:$0x1] =	stream.indirect_vreg.gather [hbm4b:s5+s3], $0x80, v4, vm0, $0xb8;
	[tilespmem:$0x18100] =	vst v63  }
0xcc: {  	s24 =	simm.s32 $0x1900  }
0xcd: {  	[tilespmem:s24], [sflag:$0x1] =	stream.indirect_vreg.gather [hbm4b:s6+s3], $0x80, v4, vm0, $0xb8;
	[tilespmem:$0x18100] =	vst v63  }
0xce: {  	_ = 	snop  }
0xcf: {  	[tilespmem:s28], [sflag:$0x1] =	stream.indirect_vreg.gather [hbm4b:s7+s3], $0x80, v4, vm0, $0xb8;
	[tilespmem:$0x18100] =	vst v63  }
0xd0: {  	_ = 	snop  }
0xd1: {  	[tilespmem:s29], [sflag:$0x1] =	stream.indirect_vreg.gather [hbm4b:s8+s3], $0x80, v4, vm0, $0xb8;
	[tilespmem:$0x18100] =	vst v63  }
0xd2: {  	_ = 	snop  }
0xd3: {  	[tilespmem:s30], [sflag:$0x1] =	stream.indirect_vreg.gather [hbm4b:s9+s3], $0x80, v4, vm0, $0xb8;
	[tilespmem:$0x18100] =	vst v63  }
0xd4: {  	s26 =	simm.s32 $0x3900  }
0xd5: {  	[tilespmem:s26], [sflag:$0x1] =	stream.indirect_vreg.gather [hbm4b:s10+s3], $0x80, v4, vm0, $0xb8;
	[tilespmem:$0x18100] =	vst v63  }
0xd6: {  	s21 =	simm.s32 $0x4100  }
0xd7: {  	[tilespmem:s21], [sflag:$0x1] =	stream.indirect_vreg.gather [hbm4b:s11+s3], $0x80, v4, vm0, $0xb8;
	[tilespmem:$0x18100] =	vst v63  }
0xd8: {  	s22 =	simm.s32 $0x4900  }
0xd9: {  	[tilespmem:s22], [sflag:$0x1] =	stream.indirect_vreg.gather [hbm4b:s12+s3], $0x80, v4, vm0, $0xb8;
	[tilespmem:$0x18100] =	vst v63  }
0xda: {  	s23 =	simm.s32 $0x5100  }
0xdb: {  	[tilespmem:s23], [sflag:$0x1] =	stream.indirect_vreg.gather [hbm4b:s13+s3], $0x80, v4, vm0, $0xb8;
	[tilespmem:$0x18100] =	vst v63  }
0xdc: {  	s24 =	simm.s32 $0x5900  }
0xdd: {  	[tilespmem:s24], [sflag:$0x1] =	stream.indirect_vreg.gather [hbm4b:s14+s3], $0x80, v4, vm0, $0xb8;
	[tilespmem:$0x18100] =	vst v63  }
0xde: {  	s26 =	simm.s32 $0x6100  }
0xdf: {  	[tilespmem:s26], [sflag:$0x1] =	stream.indirect_vreg.gather [hbm4b:s15+s3], $0x80, v4, vm0, $0xb8;
	[tilespmem:$0x18100] =	vst v63  }
0xe0: {  	s21 =	simm.s32 $0x6900  }
0xe1: {  	[tilespmem:s21], [sflag:$0x1] =	stream.indirect_vreg.gather [hbm4b:s16+s3], $0x80, v4, vm0, $0xb8;
	[tilespmem:$0x18100] =	vst v63  }
0xe2: {  	s22 =	simm.s32 $0x7100  }
0xe3: {  	[tilespmem:s22], [sflag:$0x1] =	stream.indirect_vreg.gather [hbm4b:s17+s3], $0x80, v4, vm0, $0xb8;
	[tilespmem:$0x18100] =	vst v63  }
0xe4: {  	s23 =	simm.s32 $0x7900  }
0xe5: {  	[tilespmem:s23], [sflag:$0x1] =	stream.indirect_vreg.gather [hbm4b:s18+s3], $0x80, v4, vm0, $0xb8;
	[tilespmem:$0x18100] =	vst v63  }
0xe6: {  	_ =	swait.ge [sflag:s20], $0x8000  }
0xe7: {  	[sflag:s20] =	ssyncset.done $0x0  }
0xe8: {  	s24 =	rddreg [dreg:$0xc];
	[sflag:s20] =	ssyncadd.s32 $0xFFFF8000  }
0xe9: {  	[hbm4b:s24+s3] =	stream.linear.scatter [tilespmem:s25], [sflag:$0x4], $0x8000, $0x38;
	[tilespmem:$0x18100] =	vst v63  }
0xea: {  	s26 =	rddreg [dreg:$0xd]  }
0xeb: {  	[hbm4b:s26+s3] =	stream.linear.scatter [tilespmem:s25], [sflag:$0x4], $0x8000, $0x38;
	[tilespmem:$0x18100] =	vst v63  }
0xec: {  	_ =	swait.ge [sflag:s0], $0x8000  }
0xed: {  	[sflag:s0] =	ssyncset.done $0x0  }
0xee: {  	[sflag:s0] =	ssyncadd.s32 $0xFFFF8000  }
0xef: {  	_ =	swait.ge [sflag:s0], $0x8000  }
0xf0: {  	[sflag:s0] =	ssyncset.done $0x0  }
0xf1: {  	[sflag:s0] =	ssyncadd.s32 $0xFFFF8000  }
0xf2: {  	_ =	swait.ge [sflag:s2], $0x8000  }
0xf3: {  	[sflag:s2] =	ssyncset.done $0x0  }
0xf4: {  	[sflag:s2] =	ssyncadd.s32 $0xFFFF8000  }
0xf5: {  	_ =	swait.ge [sflag:s2], $0x8000  }
0xf6: {  	[sflag:s2] =	ssyncset.done $0x0  }
0xf7: {  	[sflag:s2] =	ssyncadd.s32 $0xFFFF8000  }
0xf8: {  	p0 =	sne.s32 s19, $0x1;
	_ =	swait.ge [sflag:s31], $0x8000  }
.Ltmp0:
0xf9: {  	[sflag:s31] =	ssyncset.done $0x0;
	(pc) =	sbr.rel @p0 .LBB2_1-.Ltmp0, $4  }
0xfa: {  	[sflag:s31] =	ssyncadd.s32 $0xFFFF8000  }
0xfb: {  	_ =	swait.ge [sflag:s31], $0x8000  }
0xfc: {  	[sflag:s31] =	ssyncset.done $0x0  }
0xfd: {  	s19 =	sadd.s32 $0xFFFFFFFF, s19;
	[sflag:s31] =	ssyncadd.s32 $0xFFFF8000  }
0xfe: {  	_ =	sfence.sel $0x180000  }
0xff: {  	[bflag:$0x0] =	sbarrier.arrive $0xFFFF  }
0x100: {  	_ =	strace $0x90000047  }
0x101: {  	s0 =	stileid.u32;
	[bflag:$0x2] =	sbarrier.arrive $0xFFFF  }
0x102: {  	p0 =	sne.s32 s0, $0x0;
	s0 =	rddreg [dreg:$0x4]  }
0x103: {  	s0 =	sadd.s32 @!p0 $0x100000, s0  }
0x104: {  	[sflag:s0] =	ssyncadd.tile.s32 @!p0 $0x1;
	_ =	shalt  }
.Lfunc_end2:
_tile_overlayer_lowered:
.L_overlay_start_2:
0x105: {  	(tag) =	ssettag $0x2  }
0x106: {  	s0 =	rddreg [dreg:$0x0];
	s2 =	stileid.u32  }
0x107: {  	s1 =	rddreg [dreg:$0x1];
	p0 =	sne.s32 s2, $0x0  }
0x108: {  	s3 =	rddreg [dreg:$0x2];
	[bflag:$0x3] =	sbarrier.arrive $0xFFFF;
	s2 =	simm.s32 @!p0 $0x1C07  }
0x109: {  	[timem:s3], [sflag:s2] =	dma.local @!p0 [hbm:s0], s1  }
0x10a: {  	s0 =	simm.s32 @!p0 $0x7  }
0x10b: {  	_ =	swait.ge @!p0 [sflag:s0], s1  }
0x10c: {  	s1 =	ssub.s32 @!p0 $0x0, s1;
	[sflag:s0] =	ssyncset.done @!p0 $0x0  }
0x10d: {  	[sflag:s0] =	ssyncadd.s32 @!p0 s1  }
0x10e: {  	[bflag:$0x3] =	sbarrier.arrive $0xFFFF  }
0x10f: {  	_ =	shalt  }

</sc_bundles>
